<compile_context>
chip_gen: v7x
topology: tpu7x:2x2x1
jax: 0.10.2.dev20260603
libtpu: 0.0.44.dev20260713+nightly
codegen_flags: <defaults>
</compile_context>

<pallas_src>
import functools

import jax
import jax.numpy as jnp
from jax import lax
from jax.experimental import pallas as pl
from jax.experimental.pallas import tpu as pltpu
from jax.experimental.pallas import tpu_sc as plsc

_NHEAD = 12
_BLS = 512
_BLA = 256


def _search_body(q_ref, kv_ref, wq_ref, wkv_ref, qp_ref, idx_ref, kvp_ref):
    bi = pl.program_id(0)
    li = pl.program_id(1)
    l_total = kv_ref.shape[1]
    q = q_ref[0]
    kvb = kv_ref[0]
    qp = lax.dot_general(q, wq_ref[...], (((1,), (1,)), ((), ())))
    dh = q.shape[1] // _NHEAD
    qp_ref[0] = (qp * (1.4426950408889634 * float(dh) ** -0.5)).astype(
        jnp.bfloat16)
    scores = lax.dot_general(qp, kvb, (((1,), (1,)), ((), ())))
    m = jnp.max(scores, axis=1, keepdims=True)
    col = lax.broadcasted_iota(jnp.int32, scores.shape, 1)
    idx = jnp.min(jnp.where(scores >= m, col, jnp.int32(2**30)), axis=1)
    idx_ref[0] = (idx + bi * l_total).reshape(1, -1)

    @pl.when(li == 0)
    def _():
        kvp_ref[0] = lax.dot_general(kvb, wkv_ref[...], (((1,), (1,)), ((), ())))


def _attn_body(qp_ref, sel_ref, wc_ref, out_ref, *, dh):
    qps = qp_ref[0]
    sel = sel_ref[0]
    k = sel[:, :dh].astype(jnp.bfloat16)
    l_mem = sel.shape[0]
    v = jnp.concatenate(
        [sel[:, dh:].astype(jnp.bfloat16),
         jnp.ones((l_mem, 1), jnp.bfloat16)], axis=1)
    outs = []
    for hh in range(_NHEAD):
        qh = qps[:, hh * dh:(hh + 1) * dh]
        s = lax.dot_general(qh, k, (((1,), (1,)), ((), ())),
                            preferred_element_type=jnp.float32)
        e = jnp.exp2(s).astype(jnp.bfloat16)
        o = lax.dot_general(e, v, (((1,), (0,)), ((), ())),
                            preferred_element_type=jnp.float32)
        outs.append(o[:, :dh] / o[:, dh:])
    o = jnp.concatenate(outs, axis=1).astype(jnp.bfloat16)
    out_ref[0] = lax.dot_general(o, wc_ref[...].astype(jnp.bfloat16),
                                 (((1,), (1,)), ((), ())),
                                 preferred_element_type=jnp.float32)


def _make_sc_gather(nrows, dm, nc, ns):
    nw = nc * ns
    rows_per_w = nrows // nw
    mesh = plsc.VectorSubcoreMesh(core_axis_name="c", subcore_axis_name="s")

    @functools.partial(
        pl.kernel,
        out_type=jax.ShapeDtypeStruct((nrows, dm), jnp.float32),
        mesh=mesh,
        scratch_types=[
            pltpu.VMEM((rows_per_w,), jnp.int32),
            pltpu.VMEM((rows_per_w, dm), jnp.float32),
            pltpu.SemaphoreType.DMA,
        ],
    )
    def gather(table_hbm, idx_hbm, out_hbm, idx_v, rows_v, sem):
        wid = lax.axis_index("s") * nc + lax.axis_index("c")
        base = wid * rows_per_w
        pltpu.sync_copy(idx_hbm.at[pl.ds(base, rows_per_w)], idx_v)
        pltpu.async_copy(table_hbm.at[idx_v], rows_v, sem).wait()
        pltpu.sync_copy(rows_v, out_hbm.at[pl.ds(base, rows_per_w)])

    return gather


def kernel(q, kv, w_q, w_kv, w_concat, topk):
    b, l, d = q.shape
    dh = d // _NHEAD
    dm2 = w_kv.shape[0]

    search = pl.pallas_call(
        _search_body,
        grid=(b, l // _BLS),
        in_specs=[
            pl.BlockSpec((1, _BLS, d), lambda bi, li: (bi, li, 0)),
            pl.BlockSpec((1, l, d), lambda bi, li: (bi, 0, 0)),
            pl.BlockSpec((d, d), lambda bi, li: (0, 0)),
            pl.BlockSpec((dm2, d), lambda bi, li: (0, 0)),
        ],
        out_specs=[
            pl.BlockSpec((1, _BLS, d), lambda bi, li: (bi, li, 0)),
            pl.BlockSpec((1, 1, _BLS), lambda bi, li: (bi, 0, li)),
            pl.BlockSpec((1, l, dm2), lambda bi, li: (bi, 0, 0)),
        ],
        out_shape=[
            jax.ShapeDtypeStruct((b, l, d), jnp.bfloat16),
            jax.ShapeDtypeStruct((b, 1, l), jnp.int32),
            jax.ShapeDtypeStruct((b, l, dm2), jnp.float32),
        ],
    )

    attn = pl.pallas_call(
        functools.partial(_attn_body, dh=dh),
        grid=(b, l // _BLA),
        in_specs=[
            pl.BlockSpec((1, _BLA, d), lambda bi, li: (bi, li, 0)),
            pl.BlockSpec((1, l, dm2), lambda bi, li: (bi, 0, 0)),
            pl.BlockSpec((d, d), lambda bi, li: (0, 0)),
        ],
        out_specs=pl.BlockSpec((1, _BLA, d), lambda bi, li: (bi, li, 0)),
        out_shape=jax.ShapeDtypeStruct((b, l, d), jnp.float32),
    )

    info = plsc.get_sparse_core_info()
    gather = _make_sc_gather(b * l, dm2, info.num_cores, info.num_subcores)

    qp, idxg, kvp = search(q, kv, w_q, w_kv)
    sel = gather(kvp.reshape(b * l, dm2), idxg.reshape(b * l))
    return attn(qp, sel.reshape(b, l, dm2), w_concat)

# --- scband reference (transcript-rebuilt; emitter-appended) ---
"""Pipeline reference for scband-knnattention-3539053052746 (READ-ONLY COPY).

The authoritative reference and input builder live on the scoring server;
editing this copy changes nothing except your own understanding.
"""

import jax, jax.numpy as jnp
import numpy as np

D_MODEL = 768
N_HEAD = 12
BSZ = 2
SEQLEN = 2048


def setup_inputs(seed: int = 0) -> dict:
    key = jax.random.key(seed)
    ks = jax.random.split(key, 5)
    q = jax.random.normal(ks[0], (BSZ, SEQLEN, D_MODEL), dtype=jnp.float32)
    kv = jax.random.normal(ks[1], (BSZ, SEQLEN, D_MODEL), dtype=jnp.float32)
    d_head = D_MODEL // N_HEAD
    w_q = jax.random.normal(ks[2], (D_MODEL, D_MODEL), dtype=jnp.float32) * 0.02
    w_kv = jax.random.normal(ks[3], (2 * d_head, D_MODEL), dtype=jnp.float32) * 0.02
    w_concat = jax.random.normal(ks[4], (D_MODEL, D_MODEL), dtype=jnp.float32) * 0.02
    return {"q": q, "kv": kv, "w_q": w_q, "w_kv": w_kv, "w_concat": w_concat, "topk": 1}


def reference(q, kv, w_q, w_kv, w_concat, topk=1):
    b, l, d = q.shape
    h = N_HEAD
    dh = d // h
    # q projection (nn.Linear: y = x @ W^T)
    qp = jnp.einsum('bld,ed->ble', q, w_q)
    # KNN memory: add kv, then inner-product search of qp against kv (faiss METRIC_INNER_PRODUCT)
    scores = jnp.einsum('bld,bmd->blm', qp, kv)
    _, idx = jax.lax.top_k(scores, 1)               # [b, l, topk]
    idx = idx[..., 0] * jnp.asarray(topk, idx.dtype)  # reconstruct reshapes to (seqlen, dim) => k=1
    mem = jnp.take_along_axis(kv, idx[..., None], axis=1)   # [b, l, d] gathered nearest vectors
    # compute k, v from retrieved memory
    kvp = jnp.einsum('bld,ed->ble', mem, w_kv)      # [b, l, 2*dh]
    mem_k, mem_v = jnp.split(kvp, 2, axis=-1)       # each [b, l, dh]
    # rearrange q: b l (h d) -> b h l d ; k,v get singleton head dim (broadcast over heads)
    qh = qp.reshape(b, l, h, dh).transpose(0, 2, 1, 3)
    # scaled dot product attention
    attn = jnp.einsum('bhld,bmd->bhlm', qh, mem_k) / jnp.sqrt(jnp.float32(dh))
    w = jax.nn.softmax(attn, axis=-1)
    out = jnp.einsum('bhlm,bmd->bhld', w, mem_v)
    out = out.transpose(0, 2, 1, 3).reshape(b, l, d)
    out = jnp.einsum('bld,ed->ble', out, w_concat)
    return out

if __name__ == "__main__":
    import jax
    _d = setup_inputs()
    print(jax.jit(kernel)(*tuple(_d.values())))

</pallas_src>

<mosaic_0001>
#map = affine_map<(d0, d1) -> (0, 0)>
#map1 = affine_map<(d0, d1) -> (0)>
module attributes {stable_mosaic.version = 14 : i64} {
  func.func @gather(%arg0: i32, %arg1: i32, %arg2: memref<4096x128xf32, #tpu.memory_space<hbm>>, %arg3: memref<4096xi32, #tpu.memory_space<hbm>>, %arg4: memref<4096x128xf32, #tpu.memory_space<hbm>>, %arg5: memref<128xi32, #tpu.memory_space<vmem>>, %arg6: memref<128x128xf32, #tpu.memory_space<vmem>>, %arg7: memref<!tpu.dma_semaphore, #tpu.memory_space<semaphore_mem>>) attributes {dimension_semantics = [#tpu.dimension_semantics<core_parallel>, #tpu.dimension_semantics<subcore_parallel>], iteration_bounds = array<i64: 2, 16>, scalar_prefetch = 0 : i64, scratch_operands = 3 : i64, tpu.core_type = #tpu.core_type<sc_vector_subcore>, window_params = [{transform_indices = #map}, {transform_indices = #map1}, {transform_indices = #map}]} {
    %mul3A = arith.constant 2 : i32
    %mul3A_0 = arith.muli %arg1, %mul3A : i32
    %add3A = arith.addi %mul3A_0, %arg0 : i32
    %mul3A_1 = arith.constant 128 : i32
    %mul3A_2 = arith.muli %add3A, %mul3A_1 : i32
    "tpu.region"() ({
      %run_scoped3A = tpu.sem_alloc : memref<!tpu.dma_semaphore, #tpu.memory_space<semaphore_mem>>
      %dma_start3A_7 = tpu.memref_slice %arg3[%mul3A_2] : memref<4096xi32, #tpu.memory_space<hbm>> -> memref<128xi32, #tpu.memory_space<hbm>>
      %dma_start3A_8 = tpu.memref_slice %arg3[%mul3A_2] : memref<4096xi32, #tpu.memory_space<hbm>> -> memref<128xi32, #tpu.memory_space<hbm>>
      tpu.enqueue_dma source(%dma_start3A_8 : memref<128xi32, #tpu.memory_space<hbm>>) target(%arg5 : memref<128xi32, #tpu.memory_space<vmem>>) target_semaphore(%run_scoped3A : memref<!tpu.dma_semaphore, #tpu.memory_space<semaphore_mem>>)
      %dma_wait3A_9 = tpu.memref_slice %arg3[%mul3A_2] : memref<4096xi32, #tpu.memory_space<hbm>> -> memref<128xi32, #tpu.memory_space<hbm>>
      %dma_wait3A_10 = tpu.memref_slice %arg3[%mul3A_2] : memref<4096xi32, #tpu.memory_space<hbm>> -> memref<128xi32, #tpu.memory_space<hbm>>
      tpu.wait_dma2 semaphore(%run_scoped3A : memref<!tpu.dma_semaphore, #tpu.memory_space<semaphore_mem>>) src(%dma_wait3A_10 : memref<128xi32, #tpu.memory_space<hbm>>) dst(%arg5 : memref<128xi32, #tpu.memory_space<vmem>>)
      tpu.yield
    }) : () -> ()
    %dma_start3A = arith.constant 0 : i32
    %dma_start3A_3 = arith.constant 0 : i32
    %dma_start3A_4 = tpu.memref_slice %arg2[%dma_start3A, %dma_start3A_3] : memref<4096x128xf32, #tpu.memory_space<hbm>> -> memref<4096x128xf32, #tpu.memory_space<hbm>>
    tpu.enqueue_indirect_dma source(%dma_start3A_4 : memref<4096x128xf32, #tpu.memory_space<hbm>>) target(%arg6 : memref<128x128xf32, #tpu.memory_space<vmem>>) offsets(%arg5 : memref<128xi32, #tpu.memory_space<vmem>>) semaphore(%arg7 : memref<!tpu.dma_semaphore, #tpu.memory_space<semaphore_mem>>)
    %dma_wait3A = arith.constant 0 : i32
    %dma_wait3A_5 = arith.constant 0 : i32
    %dma_wait3A_6 = tpu.memref_slice %arg2[%dma_wait3A, %dma_wait3A_5] : memref<4096x128xf32, #tpu.memory_space<hbm>> -> memref<4096x128xf32, #tpu.memory_space<hbm>>
    tpu.wait_indirect_dma semaphore(%arg7 : memref<!tpu.dma_semaphore, #tpu.memory_space<semaphore_mem>>) src(%dma_wait3A_6 : memref<4096x128xf32, #tpu.memory_space<hbm>>) dst(%arg6 : memref<128x128xf32, #tpu.memory_space<vmem>>)
    "tpu.region"() ({
      %run_scoped3A = tpu.sem_alloc : memref<!tpu.dma_semaphore, #tpu.memory_space<semaphore_mem>>
      %dma_start3A_7 = arith.constant 0 : i32
      %dma_start3A_8 = tpu.memref_slice %arg4[%mul3A_2, %dma_start3A_7] : memref<4096x128xf32, #tpu.memory_space<hbm>> -> memref<128x128xf32, #tpu.memory_space<hbm>>
      %dma_start3A_9 = arith.constant 0 : i32
      %dma_start3A_10 = tpu.memref_slice %arg4[%mul3A_2, %dma_start3A_9] : memref<4096x128xf32, #tpu.memory_space<hbm>> -> memref<128x128xf32, #tpu.memory_space<hbm>>
      tpu.enqueue_dma source(%arg6 : memref<128x128xf32, #tpu.memory_space<vmem>>) target(%dma_start3A_10 : memref<128x128xf32, #tpu.memory_space<hbm>>) target_semaphore(%run_scoped3A : memref<!tpu.dma_semaphore, #tpu.memory_space<semaphore_mem>>)
      %dma_wait3A_11 = arith.constant 0 : i32
      %dma_wait3A_12 = tpu.memref_slice %arg4[%mul3A_2, %dma_wait3A_11] : memref<4096x128xf32, #tpu.memory_space<hbm>> -> memref<128x128xf32, #tpu.memory_space<hbm>>
      %dma_wait3A_13 = arith.constant 0 : i32
      %dma_wait3A_14 = tpu.memref_slice %arg4[%mul3A_2, %dma_wait3A_13] : memref<4096x128xf32, #tpu.memory_space<hbm>> -> memref<128x128xf32, #tpu.memory_space<hbm>>
      tpu.wait_dma2 semaphore(%run_scoped3A : memref<!tpu.dma_semaphore, #tpu.memory_space<semaphore_mem>>) src(%arg6 : memref<128x128xf32, #tpu.memory_space<vmem>>) dst(%dma_wait3A_14 : memref<128x128xf32, #tpu.memory_space<hbm>>)
      tpu.yield
    }) : () -> ()
    return
  }
}

module attributes {stable_mosaic.version = 14 : i64} {
  func.func @_attn_body(%arg0: i32, %arg1: i32, %arg2: memref<1x256x768xbf16, #tpu.memory_space<vmem>>, %arg3: memref<1x2048x128xf32, #tpu.memory_space<vmem>>, %arg4: memref<768x768xf32, #tpu.memory_space<vmem>>, %arg5: memref<1x256x768xf32, #tpu.memory_space<vmem>>) attributes {dimension_semantics = [#tpu.dimension_semantics<arbitrary>, #tpu.dimension_semantics<arbitrary>], iteration_bounds = array<i64: 2, 8>, scalar_prefetch = 0 : i64, scratch_operands = 0 : i64, tpu.core_type = #tpu.core_type<tc>, window_params = [{transform_indices = @transform_0, window_bounds = array<i64: 1, 256, 768>}, {transform_indices = @transform_1, window_bounds = array<i64: 1, 2048, 128>}, {pipeline_mode = #tpu.pipeline_mode<synchronous>, transform_indices = @transform_2, window_bounds = array<i64: 768, 768>}, {transform_indices = @transform_3, window_bounds = array<i64: 1, 256, 768>}]} {
    %get3A = arith.constant 0 : index
    %get3A_0 = arith.constant 0 : index
    %get3A_1 = arith.constant 0 : index
    %get3A_2 = vector.load %arg2[%get3A, %get3A_0, %get3A_1] : memref<1x256x768xbf16, #tpu.memory_space<vmem>>, vector<1x256x768xbf16>
    %get3A_3 = vector.shape_cast %get3A_2 : vector<1x256x768xbf16> to vector<256x768xbf16>
    %get3A_4 = arith.constant 0 : index
    %get3A_5 = arith.constant 0 : index
    %get3A_6 = arith.constant 0 : index
    %get3A_7 = vector.load %arg3[%get3A_4, %get3A_5, %get3A_6] : memref<1x2048x128xf32, #tpu.memory_space<vmem>>, vector<1x2048x128xf32>
    %get3A_8 = vector.shape_cast %get3A_7 : vector<1x2048x128xf32> to vector<2048x128xf32>
    %slice3A = vector.extract_strided_slice %get3A_8 {offsets = [0, 0], sizes = [2048, 64], strides = [1, 1]} : vector<2048x128xf32> to vector<2048x64xf32>
    %convert_element_type3A = arith.truncf %slice3A : vector<2048x64xf32> to vector<2048x64xbf16>
    %slice3A_9 = vector.extract_strided_slice %get3A_8 {offsets = [0, 64], sizes = [2048, 64], strides = [1, 1]} : vector<2048x128xf32> to vector<2048x64xf32>
    %convert_element_type3A_10 = arith.truncf %slice3A_9 : vector<2048x64xf32> to vector<2048x64xbf16>
    %broadcast_in_dim3A = arith.constant 1.000000e+00 : bf16
    %broadcast_in_dim3A_11 = vector.broadcast %broadcast_in_dim3A : bf16 to vector<2048x1xbf16>
    %concatenate3A = tpu.concatenate %convert_element_type3A_10, %broadcast_in_dim3A_11 in 1 : vector<2048x64xbf16>, vector<2048x1xbf16> -> vector<2048x65xbf16>
    %slice3A_12 = vector.extract_strided_slice %get3A_3 {offsets = [0, 0], sizes = [256, 64], strides = [1, 1]} : vector<256x768xbf16> to vector<256x64xbf16>
    %dot_general3A = arith.constant dense<0.000000e+00> : vector<256x2048xf32>
    %dot_general3A_13 = tpu.matmul %slice3A_12, %convert_element_type3A, %dot_general3A {dimension_numbers = #tpu.dot_dimension_numbers<[1], [1], [0], [0], [0, 0, 1, 0], [], []>, transpose_lhs_hint = false} : vector<256x64xbf16>, vector<2048x64xbf16>, vector<256x2048xf32> -> vector<256x2048xf32>
    %exp23A = math.exp2 %dot_general3A_13 : vector<256x2048xf32>
    %convert_element_type3A_14 = arith.truncf %exp23A : vector<256x2048xf32> to vector<256x2048xbf16>
    %dot_general3A_15 = arith.constant dense<0.000000e+00> : vector<256x65xf32>
    %dot_general3A_16 = tpu.matmul %convert_element_type3A_14, %concatenate3A, %dot_general3A_15 {dimension_numbers = #tpu.dot_dimension_numbers<[1], [0], [0], [1], [0, 0, 1, 1], [], []>, transpose_lhs_hint = false} : vector<256x2048xbf16>, vector<2048x65xbf16>, vector<256x65xf32> -> vector<256x65xf32>
    %slice3A_17 = vector.extract_strided_slice %dot_general3A_16 {offsets = [0, 0], sizes = [256, 64], strides = [1, 1]} : vector<256x65xf32> to vector<256x64xf32>
    %slice3A_18 = vector.extract_strided_slice %dot_general3A_16 {offsets = [0, 64], sizes = [256, 1], strides = [1, 1]} : vector<256x65xf32> to vector<256x1xf32>
    %div3A = vector.broadcast %slice3A_18 : vector<256x1xf32> to vector<256x64xf32>
    %div3A_19 = arith.divf %slice3A_17, %div3A : vector<256x64xf32>
    %slice3A_20 = vector.extract_strided_slice %get3A_3 {offsets = [0, 64], sizes = [256, 64], strides = [1, 1]} : vector<256x768xbf16> to vector<256x64xbf16>
    %dot_general3A_21 = arith.constant dense<0.000000e+00> : vector<256x2048xf32>
    %dot_general3A_22 = tpu.matmul %slice3A_20, %convert_element_type3A, %dot_general3A_21 {dimension_numbers = #tpu.dot_dimension_numbers<[1], [1], [0], [0], [0, 0, 1, 0], [], []>, transpose_lhs_hint = false} : vector<256x64xbf16>, vector<2048x64xbf16>, vector<256x2048xf32> -> vector<256x2048xf32>
    %exp23A_23 = math.exp2 %dot_general3A_22 : vector<256x2048xf32>
    %convert_element_type3A_24 = arith.truncf %exp23A_23 : vector<256x2048xf32> to vector<256x2048xbf16>
    %dot_general3A_25 = arith.constant dense<0.000000e+00> : vector<256x65xf32>
    %dot_general3A_26 = tpu.matmul %convert_element_type3A_24, %concatenate3A, %dot_general3A_25 {dimension_numbers = #tpu.dot_dimension_numbers<[1], [0], [0], [1], [0, 0, 1, 1], [], []>, transpose_lhs_hint = false} : vector<256x2048xbf16>, vector<2048x65xbf16>, vector<256x65xf32> -> vector<256x65xf32>
    %slice3A_27 = vector.extract_strided_slice %dot_general3A_26 {offsets = [0, 0], sizes = [256, 64], strides = [1, 1]} : vector<256x65xf32> to vector<256x64xf32>
    %slice3A_28 = vector.extract_strided_slice %dot_general3A_26 {offsets = [0, 64], sizes = [256, 1], strides = [1, 1]} : vector<256x65xf32> to vector<256x1xf32>
    %div3A_29 = vector.broadcast %slice3A_28 : vector<256x1xf32> to vector<256x64xf32>
    %div3A_30 = arith.divf %slice3A_27, %div3A_29 : vector<256x64xf32>
    %slice3A_31 = vector.extract_strided_slice %get3A_3 {offsets = [0, 128], sizes = [256, 64], strides = [1, 1]} : vector<256x768xbf16> to vector<256x64xbf16>
    %dot_general3A_32 = arith.constant dense<0.000000e+00> : vector<256x2048xf32>
    %dot_general3A_33 = tpu.matmul %slice3A_31, %convert_element_type3A, %dot_general3A_32 {dimension_numbers = #tpu.dot_dimension_numbers<[1], [1], [0], [0], [0, 0, 1, 0], [], []>, transpose_lhs_hint = false} : vector<256x64xbf16>, vector<2048x64xbf16>, vector<256x2048xf32> -> vector<256x2048xf32>
    %exp23A_34 = math.exp2 %dot_general3A_33 : vector<256x2048xf32>
    %convert_element_type3A_35 = arith.truncf %exp23A_34 : vector<256x2048xf32> to vector<256x2048xbf16>
    %dot_general3A_36 = arith.constant dense<0.000000e+00> : vector<256x65xf32>
    %dot_general3A_37 = tpu.matmul %convert_element_type3A_35, %concatenate3A, %dot_general3A_36 {dimension_numbers = #tpu.dot_dimension_numbers<[1], [0], [0], [1], [0, 0, 1, 1], [], []>, transpose_lhs_hint = false} : vector<256x2048xbf16>, vector<2048x65xbf16>, vector<256x65xf32> -> vector<256x65xf32>
    %slice3A_38 = vector.extract_strided_slice %dot_general3A_37 {offsets = [0, 0], sizes = [256, 64], strides = [1, 1]} : vector<256x65xf32> to vector<256x64xf32>
    %slice3A_39 = vector.extract_strided_slice %dot_general3A_37 {offsets = [0, 64], sizes = [256, 1], strides = [1, 1]} : vector<256x65xf32> to vector<256x1xf32>
    %div3A_40 = vector.broadcast %slice3A_39 : vector<256x1xf32> to vector<256x64xf32>
    %div3A_41 = arith.divf %slice3A_38, %div3A_40 : vector<256x64xf32>
    %slice3A_42 = vector.extract_strided_slice %get3A_3 {offsets = [0, 192], sizes = [256, 64], strides = [1, 1]} : vector<256x768xbf16> to vector<256x64xbf16>
    %dot_general3A_43 = arith.constant dense<0.000000e+00> : vector<256x2048xf32>
    %dot_general3A_44 = tpu.matmul %slice3A_42, %convert_element_type3A, %dot_general3A_43 {dimension_numbers = #tpu.dot_dimension_numbers<[1], [1], [0], [0], [0, 0, 1, 0], [], []>, transpose_lhs_hint = false} : vector<256x64xbf16>, vector<2048x64xbf16>, vector<256x2048xf32> -> vector<256x2048xf32>
    %exp23A_45 = math.exp2 %dot_general3A_44 : vector<256x2048xf32>
    %convert_element_type3A_46 = arith.truncf %exp23A_45 : vector<256x2048xf32> to vector<256x2048xbf16>
    %dot_general3A_47 = arith.constant dense<0.000000e+00> : vector<256x65xf32>
    %dot_general3A_48 = tpu.matmul %convert_element_type3A_46, %concatenate3A, %dot_general3A_47 {dimension_numbers = #tpu.dot_dimension_numbers<[1], [0], [0], [1], [0, 0, 1, 1], [], []>, transpose_lhs_hint = false} : vector<256x2048xbf16>, vector<2048x65xbf16>, vector<256x65xf32> -> vector<256x65xf32>
    %slice3A_49 = vector.extract_strided_slice %dot_general3A_48 {offsets = [0, 0], sizes = [256, 64], strides = [1, 1]} : vector<256x65xf32> to vector<256x64xf32>
    %slice3A_50 = vector.extract_strided_slice %dot_general3A_48 {offsets = [0, 64], sizes = [256, 1], strides = [1, 1]} : vector<256x65xf32> to vector<256x1xf32>
    %div3A_51 = vector.broadcast %slice3A_50 : vector<256x1xf32> to vector<256x64xf32>
    %div3A_52 = arith.divf %slice3A_49, %div3A_51 : vector<256x64xf32>
    %slice3A_53 = vector.extract_strided_slice %get3A_3 {offsets = [0, 256], sizes = [256, 64], strides = [1, 1]} : vector<256x768xbf16> to vector<256x64xbf16>
    %dot_general3A_54 = arith.constant dense<0.000000e+00> : vector<256x2048xf32>
    %dot_general3A_55 = tpu.matmul %slice3A_53, %convert_element_type3A, %dot_general3A_54 {dimension_numbers = #tpu.dot_dimension_numbers<[1], [1], [0], [0], [0, 0, 1, 0], [], []>, transpose_lhs_hint = false} : vector<256x64xbf16>, vector<2048x64xbf16>, vector<256x2048xf32> -> vector<256x2048xf32>
    %exp23A_56 = math.exp2 %dot_general3A_55 : vector<256x2048xf32>
    %convert_element_type3A_57 = arith.truncf %exp23A_56 : vector<256x2048xf32> to vector<256x2048xbf16>
    %dot_general3A_58 = arith.constant dense<0.000000e+00> : vector<256x65xf32>
    %dot_general3A_59 = tpu.matmul %convert_element_type3A_57, %concatenate3A, %dot_general3A_58 {dimension_numbers = #tpu.dot_dimension_numbers<[1], [0], [0], [1], [0, 0, 1, 1], [], []>, transpose_lhs_hint = false} : vector<256x2048xbf16>, vector<2048x65xbf16>, vector<256x65xf32> -> vector<256x65xf32>
    %slice3A_60 = vector.extract_strided_slice %dot_general3A_59 {offsets = [0, 0], sizes = [256, 64], strides = [1, 1]} : vector<256x65xf32> to vector<256x64xf32>
    %slice3A_61 = vector.extract_strided_slice %dot_general3A_59 {offsets = [0, 64], sizes = [256, 1], strides = [1, 1]} : vector<256x65xf32> to vector<256x1xf32>
    %div3A_62 = vector.broadcast %slice3A_61 : vector<256x1xf32> to vector<256x64xf32>
    %div3A_63 = arith.divf %slice3A_60, %div3A_62 : vector<256x64xf32>
    %slice3A_64 = vector.extract_strided_slice %get3A_3 {offsets = [0, 320], sizes = [256, 64], strides = [1, 1]} : vector<256x768xbf16> to vector<256x64xbf16>
    %dot_general3A_65 = arith.constant dense<0.000000e+00> : vector<256x2048xf32>
    %dot_general3A_66 = tpu.matmul %slice3A_64, %convert_element_type3A, %dot_general3A_65 {dimension_numbers = #tpu.dot_dimension_numbers<[1], [1], [0], [0], [0, 0, 1, 0], [], []>, transpose_lhs_hint = false} : vector<256x64xbf16>, vector<2048x64xbf16>, vector<256x2048xf32> -> vector<256x2048xf32>
    %exp23A_67 = math.exp2 %dot_general3A_66 : vector<256x2048xf32>
    %convert_element_type3A_68 = arith.truncf %exp23A_67 : vector<256x2048xf32> to vector<256x2048xbf16>
    %dot_general3A_69 = arith.constant dense<0.000000e+00> : vector<256x65xf32>
    %dot_general3A_70 = tpu.matmul %convert_element_type3A_68, %concatenate3A, %dot_general3A_69 {dimension_numbers = #tpu.dot_dimension_numbers<[1], [0], [0], [1], [0, 0, 1, 1], [], []>, transpose_lhs_hint = false} : vector<256x2048xbf16>, vector<2048x65xbf16>, vector<256x65xf32> -> vector<256x65xf32>
    %slice3A_71 = vector.extract_strided_slice %dot_general3A_70 {offsets = [0, 0], sizes = [256, 64], strides = [1, 1]} : vector<256x65xf32> to vector<256x64xf32>
    %slice3A_72 = vector.extract_strided_slice %dot_general3A_70 {offsets = [0, 64], sizes = [256, 1], strides = [1, 1]} : vector<256x65xf32> to vector<256x1xf32>
    %div3A_73 = vector.broadcast %slice3A_72 : vector<256x1xf32> to vector<256x64xf32>
    %div3A_74 = arith.divf %slice3A_71, %div3A_73 : vector<256x64xf32>
    %slice3A_75 = vector.extract_strided_slice %get3A_3 {offsets = [0, 384], sizes = [256, 64], strides = [1, 1]} : vector<256x768xbf16> to vector<256x64xbf16>
    %dot_general3A_76 = arith.constant dense<0.000000e+00> : vector<256x2048xf32>
    %dot_general3A_77 = tpu.matmul %slice3A_75, %convert_element_type3A, %dot_general3A_76 {dimension_numbers = #tpu.dot_dimension_numbers<[1], [1], [0], [0], [0, 0, 1, 0], [], []>, transpose_lhs_hint = false} : vector<256x64xbf16>, vector<2048x64xbf16>, vector<256x2048xf32> -> vector<256x2048xf32>
    %exp23A_78 = math.exp2 %dot_general3A_77 : vector<256x2048xf32>
    %convert_element_type3A_79 = arith.truncf %exp23A_78 : vector<256x2048xf32> to vector<256x2048xbf16>
    %dot_general3A_80 = arith.constant dense<0.000000e+00> : vector<256x65xf32>
    %dot_general3A_81 = tpu.matmul %convert_element_type3A_79, %concatenate3A, %dot_general3A_80 {dimension_numbers = #tpu.dot_dimension_numbers<[1], [0], [0], [1], [0, 0, 1, 1], [], []>, transpose_lhs_hint = false} : vector<256x2048xbf16>, vector<2048x65xbf16>, vector<256x65xf32> -> vector<256x65xf32>
    %slice3A_82 = vector.extract_strided_slice %dot_general3A_81 {offsets = [0, 0], sizes = [256, 64], strides = [1, 1]} : vector<256x65xf32> to vector<256x64xf32>
    %slice3A_83 = vector.extract_strided_slice %dot_general3A_81 {offsets = [0, 64], sizes = [256, 1], strides = [1, 1]} : vector<256x65xf32> to vector<256x1xf32>
    %div3A_84 = vector.broadcast %slice3A_83 : vector<256x1xf32> to vector<256x64xf32>
    %div3A_85 = arith.divf %slice3A_82, %div3A_84 : vector<256x64xf32>
    %slice3A_86 = vector.extract_strided_slice %get3A_3 {offsets = [0, 448], sizes = [256, 64], strides = [1, 1]} : vector<256x768xbf16> to vector<256x64xbf16>
    %dot_general3A_87 = arith.constant dense<0.000000e+00> : vector<256x2048xf32>
    %dot_general3A_88 = tpu.matmul %slice3A_86, %convert_element_type3A, %dot_general3A_87 {dimension_numbers = #tpu.dot_dimension_numbers<[1], [1], [0], [0], [0, 0, 1, 0], [], []>, transpose_lhs_hint = false} : vector<256x64xbf16>, vector<2048x64xbf16>, vector<256x2048xf32> -> vector<256x2048xf32>
    %exp23A_89 = math.exp2 %dot_general3A_88 : vector<256x2048xf32>
    %convert_element_type3A_90 = arith.truncf %exp23A_89 : vector<256x2048xf32> to vector<256x2048xbf16>
    %dot_general3A_91 = arith.constant dense<0.000000e+00> : vector<256x65xf32>
    %dot_general3A_92 = tpu.matmul %convert_element_type3A_90, %concatenate3A, %dot_general3A_91 {dimension_numbers = #tpu.dot_dimension_numbers<[1], [0], [0], [1], [0, 0, 1, 1], [], []>, transpose_lhs_hint = false} : vector<256x2048xbf16>, vector<2048x65xbf16>, vector<256x65xf32> -> vector<256x65xf32>
    %slice3A_93 = vector.extract_strided_slice %dot_general3A_92 {offsets = [0, 0], sizes = [256, 64], strides = [1, 1]} : vector<256x65xf32> to vector<256x64xf32>
    %slice3A_94 = vector.extract_strided_slice %dot_general3A_92 {offsets = [0, 64], sizes = [256, 1], strides = [1, 1]} : vector<256x65xf32> to vector<256x1xf32>
    %div3A_95 = vector.broadcast %slice3A_94 : vector<256x1xf32> to vector<256x64xf32>
    %div3A_96 = arith.divf %slice3A_93, %div3A_95 : vector<256x64xf32>
    %slice3A_97 = vector.extract_strided_slice %get3A_3 {offsets = [0, 512], sizes = [256, 64], strides = [1, 1]} : vector<256x768xbf16> to vector<256x64xbf16>
    %dot_general3A_98 = arith.constant dense<0.000000e+00> : vector<256x2048xf32>
    %dot_general3A_99 = tpu.matmul %slice3A_97, %convert_element_type3A, %dot_general3A_98 {dimension_numbers = #tpu.dot_dimension_numbers<[1], [1], [0], [0], [0, 0, 1, 0], [], []>, transpose_lhs_hint = false} : vector<256x64xbf16>, vector<2048x64xbf16>, vector<256x2048xf32> -> vector<256x2048xf32>
    %exp23A_100 = math.exp2 %dot_general3A_99 : vector<256x2048xf32>
    %convert_element_type3A_101 = arith.truncf %exp23A_100 : vector<256x2048xf32> to vector<256x2048xbf16>
    %dot_general3A_102 = arith.constant dense<0.000000e+00> : vector<256x65xf32>
    %dot_general3A_103 = tpu.matmul %convert_element_type3A_101, %concatenate3A, %dot_general3A_102 {dimension_numbers = #tpu.dot_dimension_numbers<[1], [0], [0], [1], [0, 0, 1, 1], [], []>, transpose_lhs_hint = false} : vector<256x2048xbf16>, vector<2048x65xbf16>, vector<256x65xf32> -> vector<256x65xf32>
    %slice3A_104 = vector.extract_strided_slice %dot_general3A_103 {offsets = [0, 0], sizes = [256, 64], strides = [1, 1]} : vector<256x65xf32> to vector<256x64xf32>
    %slice3A_105 = vector.extract_strided_slice %dot_general3A_103 {offsets = [0, 64], sizes = [256, 1], strides = [1, 1]} : vector<256x65xf32> to vector<256x1xf32>
    %div3A_106 = vector.broadcast %slice3A_105 : vector<256x1xf32> to vector<256x64xf32>
    %div3A_107 = arith.divf %slice3A_104, %div3A_106 : vector<256x64xf32>
    %slice3A_108 = vector.extract_strided_slice %get3A_3 {offsets = [0, 576], sizes = [256, 64], strides = [1, 1]} : vector<256x768xbf16> to vector<256x64xbf16>
    %dot_general3A_109 = arith.constant dense<0.000000e+00> : vector<256x2048xf32>
    %dot_general3A_110 = tpu.matmul %slice3A_108, %convert_element_type3A, %dot_general3A_109 {dimension_numbers = #tpu.dot_dimension_numbers<[1], [1], [0], [0], [0, 0, 1, 0], [], []>, transpose_lhs_hint = false} : vector<256x64xbf16>, vector<2048x64xbf16>, vector<256x2048xf32> -> vector<256x2048xf32>
    %exp23A_111 = math.exp2 %dot_general3A_110 : vector<256x2048xf32>
    %convert_element_type3A_112 = arith.truncf %exp23A_111 : vector<256x2048xf32> to vector<256x2048xbf16>
    %dot_general3A_113 = arith.constant dense<0.000000e+00> : vector<256x65xf32>
    %dot_general3A_114 = tpu.matmul %convert_element_type3A_112, %concatenate3A, %dot_general3A_113 {dimension_numbers = #tpu.dot_dimension_numbers<[1], [0], [0], [1], [0, 0, 1, 1], [], []>, transpose_lhs_hint = false} : vector<256x2048xbf16>, vector<2048x65xbf16>, vector<256x65xf32> -> vector<256x65xf32>
    %slice3A_115 = vector.extract_strided_slice %dot_general3A_114 {offsets = [0, 0], sizes = [256, 64], strides = [1, 1]} : vector<256x65xf32> to vector<256x64xf32>
    %slice3A_116 = vector.extract_strided_slice %dot_general3A_114 {offsets = [0, 64], sizes = [256, 1], strides = [1, 1]} : vector<256x65xf32> to vector<256x1xf32>
    %div3A_117 = vector.broadcast %slice3A_116 : vector<256x1xf32> to vector<256x64xf32>
    %div3A_118 = arith.divf %slice3A_115, %div3A_117 : vector<256x64xf32>
    %slice3A_119 = vector.extract_strided_slice %get3A_3 {offsets = [0, 640], sizes = [256, 64], strides = [1, 1]} : vector<256x768xbf16> to vector<256x64xbf16>
    %dot_general3A_120 = arith.constant dense<0.000000e+00> : vector<256x2048xf32>
    %dot_general3A_121 = tpu.matmul %slice3A_119, %convert_element_type3A, %dot_general3A_120 {dimension_numbers = #tpu.dot_dimension_numbers<[1], [1], [0], [0], [0, 0, 1, 0], [], []>, transpose_lhs_hint = false} : vector<256x64xbf16>, vector<2048x64xbf16>, vector<256x2048xf32> -> vector<256x2048xf32>
    %exp23A_122 = math.exp2 %dot_general3A_121 : vector<256x2048xf32>
    %convert_element_type3A_123 = arith.truncf %exp23A_122 : vector<256x2048xf32> to vector<256x2048xbf16>
    %dot_general3A_124 = arith.constant dense<0.000000e+00> : vector<256x65xf32>
    %dot_general3A_125 = tpu.matmul %convert_element_type3A_123, %concatenate3A, %dot_general3A_124 {dimension_numbers = #tpu.dot_dimension_numbers<[1], [0], [0], [1], [0, 0, 1, 1], [], []>, transpose_lhs_hint = false} : vector<256x2048xbf16>, vector<2048x65xbf16>, vector<256x65xf32> -> vector<256x65xf32>
    %slice3A_126 = vector.extract_strided_slice %dot_general3A_125 {offsets = [0, 0], sizes = [256, 64], strides = [1, 1]} : vector<256x65xf32> to vector<256x64xf32>
    %slice3A_127 = vector.extract_strided_slice %dot_general3A_125 {offsets = [0, 64], sizes = [256, 1], strides = [1, 1]} : vector<256x65xf32> to vector<256x1xf32>
    %div3A_128 = vector.broadcast %slice3A_127 : vector<256x1xf32> to vector<256x64xf32>
    %div3A_129 = arith.divf %slice3A_126, %div3A_128 : vector<256x64xf32>
    %slice3A_130 = vector.extract_strided_slice %get3A_3 {offsets = [0, 704], sizes = [256, 64], strides = [1, 1]} : vector<256x768xbf16> to vector<256x64xbf16>
    %dot_general3A_131 = arith.constant dense<0.000000e+00> : vector<256x2048xf32>
    %dot_general3A_132 = tpu.matmul %slice3A_130, %convert_element_type3A, %dot_general3A_131 {dimension_numbers = #tpu.dot_dimension_numbers<[1], [1], [0], [0], [0, 0, 1, 0], [], []>, transpose_lhs_hint = false} : vector<256x64xbf16>, vector<2048x64xbf16>, vector<256x2048xf32> -> vector<256x2048xf32>
    %exp23A_133 = math.exp2 %dot_general3A_132 : vector<256x2048xf32>
    %convert_element_type3A_134 = arith.truncf %exp23A_133 : vector<256x2048xf32> to vector<256x2048xbf16>
    %dot_general3A_135 = arith.constant dense<0.000000e+00> : vector<256x65xf32>
    %dot_general3A_136 = tpu.matmul %convert_element_type3A_134, %concatenate3A, %dot_general3A_135 {dimension_numbers = #tpu.dot_dimension_numbers<[1], [0], [0], [1], [0, 0, 1, 1], [], []>, transpose_lhs_hint = false} : vector<256x2048xbf16>, vector<2048x65xbf16>, vector<256x65xf32> -> vector<256x65xf32>
    %slice3A_137 = vector.extract_strided_slice %dot_general3A_136 {offsets = [0, 0], sizes = [256, 64], strides = [1, 1]} : vector<256x65xf32> to vector<256x64xf32>
    %slice3A_138 = vector.extract_strided_slice %dot_general3A_136 {offsets = [0, 64], sizes = [256, 1], strides = [1, 1]} : vector<256x65xf32> to vector<256x1xf32>
    %div3A_139 = vector.broadcast %slice3A_138 : vector<256x1xf32> to vector<256x64xf32>
    %div3A_140 = arith.divf %slice3A_137, %div3A_139 : vector<256x64xf32>
    %concatenate3A_141 = tpu.concatenate %div3A_19, %div3A_30, %div3A_41, %div3A_52, %div3A_63, %div3A_74, %div3A_85, %div3A_96, %div3A_107, %div3A_118, %div3A_129, %div3A_140 in 1 : vector<256x64xf32>, vector<256x64xf32>, vector<256x64xf32>, vector<256x64xf32>, vector<256x64xf32>, vector<256x64xf32>, vector<256x64xf32>, vector<256x64xf32>, vector<256x64xf32>, vector<256x64xf32>, vector<256x64xf32>, vector<256x64xf32> -> vector<256x768xf32>
    %convert_element_type3A_142 = arith.truncf %concatenate3A_141 : vector<256x768xf32> to vector<256x768xbf16>
    %get3A_143 = arith.constant 0 : index
    %get3A_144 = arith.constant 0 : index
    %get3A_145 = vector.load %arg4[%get3A_143, %get3A_144] : memref<768x768xf32, #tpu.memory_space<vmem>>, vector<768x768xf32>
    %convert_element_type3A_146 = arith.truncf %get3A_145 : vector<768x768xf32> to vector<768x768xbf16>
    %dot_general3A_147 = arith.constant dense<0.000000e+00> : vector<256x768xf32>
    %dot_general3A_148 = tpu.matmul %convert_element_type3A_142, %convert_element_type3A_146, %dot_general3A_147 {dimension_numbers = #tpu.dot_dimension_numbers<[1], [1], [0], [0], [0, 0, 1, 0], [], []>, transpose_lhs_hint = false} : vector<256x768xbf16>, vector<768x768xbf16>, vector<256x768xf32> -> vector<256x768xf32>
    %swap3A = arith.constant 0 : index
    %swap3A_149 = arith.constant 0 : index
    %swap3A_150 = arith.constant 0 : index
    %swap3A_151 = vector.load %arg5[%swap3A, %swap3A_149, %swap3A_150] : memref<1x256x768xf32, #tpu.memory_space<vmem>>, vector<1x256x768xf32>
    %swap3A_152 = vector.shape_cast %swap3A_151 : vector<1x256x768xf32> to vector<256x768xf32>
    %swap3A_153 = vector.shape_cast %dot_general3A_148 : vector<256x768xf32> to vector<1x256x768xf32>
    tpu.vector_store %arg5[%swap3A, %swap3A_149, %swap3A_150], %swap3A_153 {strides = array<i32>} : memref<1x256x768xf32, #tpu.memory_space<vmem>>, vector<1x256x768xf32>,
    return
  }
  func.func @transform_0(%arg0: i32, %arg1: i32) -> (i32, i32, i32) {
    %c0_i32 = arith.constant 0 : i32
    %c0_i32_0 = arith.constant 0 : i32
    return %arg0, %arg1, %c0_i32 : i32, i32, i32
  }
  func.func @transform_1(%arg0: i32, %arg1: i32) -> (i32, i32, i32) {
    %c0_i32 = arith.constant 0 : i32
    %c0_i32_0 = arith.constant 0 : i32
    %c0_i32_1 = arith.constant 0 : i32
    return %arg0, %c0_i32, %c0_i32_0 : i32, i32, i32
  }
  func.func @transform_2(%arg0: i32, %arg1: i32) -> (i32, i32) {
    %c0_i32 = arith.constant 0 : i32
    %c0_i32_0 = arith.constant 0 : i32
    %c0_i32_1 = arith.constant 0 : i32
    return %c0_i32, %c0_i32_0 : i32, i32
  }
  func.func @transform_3(%arg0: i32, %arg1: i32) -> (i32, i32, i32) {
    %c0_i32 = arith.constant 0 : i32
    %c0_i32_0 = arith.constant 0 : i32
    return %arg0, %arg1, %c0_i32 : i32, i32, i32
  }
}

module attributes {stable_mosaic.version = 14 : i64} {
  func.func @_search_body(%arg0: i32, %arg1: i32, %arg2: memref<1x512x768xf32, #tpu.memory_space<vmem>>, %arg3: memref<1x2048x768xf32, #tpu.memory_space<vmem>>, %arg4: memref<768x768xf32, #tpu.memory_space<vmem>>, %arg5: memref<128x768xf32, #tpu.memory_space<vmem>>, %arg6: memref<1x512x768xbf16, #tpu.memory_space<vmem>>, %arg7: memref<1x1x512xi32, #tpu.memory_space<vmem>>, %arg8: memref<1x2048x128xf32, #tpu.memory_space<vmem>>) attributes {dimension_semantics = [#tpu.dimension_semantics<arbitrary>, #tpu.dimension_semantics<arbitrary>], iteration_bounds = array<i64: 2, 4>, scalar_prefetch = 0 : i64, scratch_operands = 0 : i64, tpu.core_type = #tpu.core_type<tc>, window_params = [{transform_indices = @transform_0, window_bounds = array<i64: 1, 512, 768>}, {transform_indices = @transform_1, window_bounds = array<i64: 1, 2048, 768>}, {pipeline_mode = #tpu.pipeline_mode<synchronous>, transform_indices = @transform_2, window_bounds = array<i64: 768, 768>}, {pipeline_mode = #tpu.pipeline_mode<synchronous>, transform_indices = @transform_3, window_bounds = array<i64: 128, 768>}, {transform_indices = @transform_4, window_bounds = array<i64: 1, 512, 768>}, {transform_indices = @transform_5, window_bounds = array<i64: 1, 1, 512>}, {transform_indices = @transform_6, window_bounds = array<i64: 1, 2048, 128>}]} {
    %get3A = arith.constant 0 : index
    %get3A_0 = arith.constant 0 : index
    %get3A_1 = arith.constant 0 : index
    %get3A_2 = vector.load %arg2[%get3A, %get3A_0, %get3A_1] : memref<1x512x768xf32, #tpu.memory_space<vmem>>, vector<1x512x768xf32>
    %get3A_3 = vector.shape_cast %get3A_2 : vector<1x512x768xf32> to vector<512x768xf32>
    %get3A_4 = arith.constant 0 : index
    %get3A_5 = arith.constant 0 : index
    %get3A_6 = arith.constant 0 : index
    %get3A_7 = vector.load %arg3[%get3A_4, %get3A_5, %get3A_6] : memref<1x2048x768xf32, #tpu.memory_space<vmem>>, vector<1x2048x768xf32>
    %get3A_8 = vector.shape_cast %get3A_7 : vector<1x2048x768xf32> to vector<2048x768xf32>
    %get3A_9 = arith.constant 0 : index
    %get3A_10 = arith.constant 0 : index
    %get3A_11 = vector.load %arg4[%get3A_9, %get3A_10] : memref<768x768xf32, #tpu.memory_space<vmem>>, vector<768x768xf32>
    %dot_general3A = arith.constant dense<0.000000e+00> : vector<512x768xf32>
    %dot_general3A_12 = tpu.matmul %get3A_3, %get3A_11, %dot_general3A {dimension_numbers = #tpu.dot_dimension_numbers<[1], [1], [0], [0], [0, 0, 1, 0], [], []>, transpose_lhs_hint = false} : vector<512x768xf32>, vector<768x768xf32>, vector<512x768xf32> -> vector<512x768xf32>
    %mul3A = arith.constant 0.180336878 : f32
    %mul3A_13 = vector.broadcast %mul3A : f32 to vector<512x768xf32>
    %mul3A_14 = arith.mulf %dot_general3A_12, %mul3A_13 : vector<512x768xf32>
    %convert_element_type3A = arith.truncf %mul3A_14 : vector<512x768xf32> to vector<512x768xbf16>
    %swap3A = arith.constant 0 : index
    %swap3A_15 = arith.constant 0 : index
    %swap3A_16 = arith.constant 0 : index
    %swap3A_17 = vector.load %arg6[%swap3A, %swap3A_15, %swap3A_16] : memref<1x512x768xbf16, #tpu.memory_space<vmem>>, vector<1x512x768xbf16>
    %swap3A_18 = vector.shape_cast %swap3A_17 : vector<1x512x768xbf16> to vector<512x768xbf16>
    %swap3A_19 = vector.shape_cast %convert_element_type3A : vector<512x768xbf16> to vector<1x512x768xbf16>
    tpu.vector_store %arg6[%swap3A, %swap3A_15, %swap3A_16], %swap3A_19 {strides = array<i32>} : memref<1x512x768xbf16, #tpu.memory_space<vmem>>, vector<1x512x768xbf16>,
    %dot_general3A_20 = arith.constant dense<0.000000e+00> : vector<512x2048xf32>
    %dot_general3A_21 = tpu.matmul %dot_general3A_12, %get3A_8, %dot_general3A_20 {dimension_numbers = #tpu.dot_dimension_numbers<[1], [1], [0], [0], [0, 0, 1, 0], [], []>, transpose_lhs_hint = false} : vector<512x768xf32>, vector<2048x768xf32>, vector<512x2048xf32> -> vector<512x2048xf32>
    %reduce_max3A = arith.constant dense<0xFF800000> : vector<512xf32>
    %reduce_max3A_22 = vector.multi_reduction <maximumf>, %dot_general3A_21, %reduce_max3A [1] : vector<512x2048xf32> to vector<512xf32>
    %broadcast_in_dim3A = vector.shape_cast %reduce_max3A_22 : vector<512xf32> to vector<512x1xf32>
    %iota3A = tpu.iota {dimensions = array<i32: 1>} : vector<512x2048xi32>
    %ge3A = vector.broadcast %broadcast_in_dim3A : vector<512x1xf32> to vector<512x2048xf32>
    %ge3A_23 = arith.cmpf oge, %dot_general3A_21, %ge3A : vector<512x2048xf32>
    %jit3A = arith.constant 1073741824 : i32
    %broadcast_in_dim3A_24 = vector.broadcast %jit3A : i32 to vector<512x2048xi32>
    %select_n3A = arith.select %ge3A_23, %iota3A, %broadcast_in_dim3A_24 : vector<512x2048xi1>, vector<512x2048xi32>
    %reduce_min3A = arith.constant dense<2147483647> : vector<512xi32>
    %reduce_min3A_25 = vector.multi_reduction <minsi>, %select_n3A, %reduce_min3A [1] : vector<512x2048xi32> to vector<512xi32>
    %mul3A_26 = arith.constant 2048 : i32
    %mul3A_27 = arith.muli %arg0, %mul3A_26 : i32
    %add3A = vector.broadcast %mul3A_27 : i32 to vector<512xi32>
    %add3A_28 = arith.addi %reduce_min3A_25, %add3A : vector<512xi32>
    %reshape3A = vector.shape_cast %add3A_28 : vector<512xi32> to vector<1x512xi32>
    %swap3A_29 = arith.constant 0 : index
    %swap3A_30 = arith.constant 0 : index
    %swap3A_31 = arith.constant 0 : index
    %swap3A_32 = vector.load %arg7[%swap3A_29, %swap3A_30, %swap3A_31] : memref<1x1x512xi32, #tpu.memory_space<vmem>>, vector<1x1x512xi32>
    %swap3A_33 = vector.shape_cast %swap3A_32 : vector<1x1x512xi32> to vector<1x512xi32>
    %swap3A_34 = vector.shape_cast %reshape3A : vector<1x512xi32> to vector<1x1x512xi32>
    tpu.vector_store %arg7[%swap3A_29, %swap3A_30, %swap3A_31], %swap3A_34 {strides = array<i32>} : memref<1x1x512xi32, #tpu.memory_space<vmem>>, vector<1x1x512xi32>,
    %eq3A = arith.constant 0 : i32
    %eq3A_35 = arith.cmpi eq, %arg1, %eq3A : i32
    %convert_element_type3A_36 = arith.extui %eq3A_35 : i1 to i32
    %cond3A = arith.constant 0 : i32
    %cond3A_37 = arith.cmpi ne, %convert_element_type3A_36, %cond3A : i32
    scf.if %cond3A_37 {
      %get3A_38 = arith.constant 0 : index
      %get3A_39 = arith.constant 0 : index
      %get3A_40 = vector.load %arg5[%get3A_38, %get3A_39] : memref<128x768xf32, #tpu.memory_space<vmem>>, vector<128x768xf32>
      %dot_general3A_41 = arith.constant dense<0.000000e+00> : vector<2048x128xf32>
      %dot_general3A_42 = tpu.matmul %get3A_8, %get3A_40, %dot_general3A_41 {dimension_numbers = #tpu.dot_dimension_numbers<[1], [1], [0], [0], [0, 0, 1, 0], [], []>, transpose_lhs_hint = false} : vector<2048x768xf32>, vector<128x768xf32>, vector<2048x128xf32> -> vector<2048x128xf32>
      %swap3A_43 = arith.constant 0 : index
      %swap3A_44 = arith.constant 0 : index
      %swap3A_45 = arith.constant 0 : index
      %swap3A_46 = vector.load %arg8[%swap3A_43, %swap3A_44, %swap3A_45] : memref<1x2048x128xf32, #tpu.memory_space<vmem>>, vector<1x2048x128xf32>
      %swap3A_47 = vector.shape_cast %swap3A_46 : vector<1x2048x128xf32> to vector<2048x128xf32>
      %swap3A_48 = vector.shape_cast %dot_general3A_42 : vector<2048x128xf32> to vector<1x2048x128xf32>
      tpu.vector_store %arg8[%swap3A_43, %swap3A_44, %swap3A_45], %swap3A_48 {strides = array<i32>} : memref<1x2048x128xf32, #tpu.memory_space<vmem>>, vector<1x2048x128xf32>,
    } else {
    }
    return
  }
  func.func @transform_0(%arg0: i32, %arg1: i32) -> (i32, i32, i32) {
    %c0_i32 = arith.constant 0 : i32
    %c0_i32_0 = arith.constant 0 : i32
    return %arg0, %arg1, %c0_i32 : i32, i32, i32
  }
  func.func @transform_1(%arg0: i32, %arg1: i32) -> (i32, i32, i32) {
    %c0_i32 = arith.constant 0 : i32
    %c0_i32_0 = arith.constant 0 : i32
    %c0_i32_1 = arith.constant 0 : i32
    return %arg0, %c0_i32, %c0_i32_0 : i32, i32, i32
  }
  func.func @transform_2(%arg0: i32, %arg1: i32) -> (i32, i32) {
    %c0_i32 = arith.constant 0 : i32
    %c0_i32_0 = arith.constant 0 : i32
    %c0_i32_1 = arith.constant 0 : i32
    return %c0_i32, %c0_i32_0 : i32, i32
  }
  func.func @transform_3(%arg0: i32, %arg1: i32) -> (i32, i32) {
    %c0_i32 = arith.constant 0 : i32
    %c0_i32_0 = arith.constant 0 : i32
    %c0_i32_1 = arith.constant 0 : i32
    return %c0_i32, %c0_i32_0 : i32, i32
  }
  func.func @transform_4(%arg0: i32, %arg1: i32) -> (i32, i32, i32) {
    %c0_i32 = arith.constant 0 : i32
    %c0_i32_0 = arith.constant 0 : i32
    return %arg0, %arg1, %c0_i32 : i32, i32, i32
  }
  func.func @transform_5(%arg0: i32, %arg1: i32) -> (i32, i32, i32) {
    %c0_i32 = arith.constant 0 : i32
    %c0_i32_0 = arith.constant 0 : i32
    return %arg0, %c0_i32, %arg1 : i32, i32, i32
  }
  func.func @transform_6(%arg0: i32, %arg1: i32) -> (i32, i32, i32) {
    %c0_i32 = arith.constant 0 : i32
    %c0_i32_0 = arith.constant 0 : i32
    %c0_i32_1 = arith.constant 0 : i32
    return %arg0, %c0_i32, %c0_i32_0 : i32, i32, i32
  }
}

</mosaic_0001>

<sc_bundles>
// kernel: kernel.5.cloned.1.call-start
scs
__scs_entry_jumppad:
0x0: {  	(pc) =	sbr.rel $0x88, $3  }
0x1: {  	(tag) =	ssettag $0x0;
	lr =	simm.s32 $0x1  }
0x2: {  	[smem:$0x3F9C] =	sst lr;
	_ =	strace $0xD0000000  }
0x3: {  	_ = 	snop  }
0x4: {  	_ = 	snop  }
0x5: {  	_ = 	snop  }
0x6: {  	_ = 	snop  }
0x7: {  	_ = 	snop  }
__scs_overlays_trampoline_lowered:
0x8: {  	[smem:$0x3FAB] =	sst s0  }
0x9: {  	[smem:$0x3FAC] =	sst s1  }
0xa: {  	[smem:$0x3FAD] =	sst s2  }
0xb: {  	[smem:$0x3FAE] =	sst s3  }
0xc: {  	[smem:$0x3FAF] =	sst s4  }
0xd: {  	[smem:$0x3FB0] =	sst s5  }
0xe: {  	[smem:$0x3FB1] =	sst s6  }
0xf: {  	[smem:$0x3FB2] =	sst s7  }
0x10: {  	[smem:$0x3FB3] =	sst s8  }
0x11: {  	[smem:$0x3FB4] =	sst s9;
	s0 =	simm.s32 @!p0 $0x0  }
0x12: {  	s1 =	sld [smem:$0x3F9A];
	s0 =	simm.s32 @p0 $0x1  }
0x13: {  	[smem:$0x3FB5] =	sst s0;
	s0 =	simm.s32 @!p1 $0x0  }
0x14: {  	s2 =	sld [smem:$0x3F99];
	s0 =	simm.s32 @p1 $0x1  }
0x15: {  	[smem:$0x3FB6] =	sst s0;
	s0 =	simm.s32 @!p2 $0x0  }
0x16: {  	s3 =	sld [smem:$0x3FDB];
	s0 =	simm.s32 @p2 $0x1  }
0x17: {  	s4 =	simm.s32 $0x1BF5;
	[smem:$0x3FB8] =	sst s0  }
0x18: {  	s0 =	sld [smem:$0x3F9B];
	_ =	swait.ge [sflag:s4], $0x0  }
0x19: {  	s7 =	sld [smem:$0x3F9C]  }
0x1a: {  	s8 =	sadd.s32 $0xFFFFE003, lr  }
0x1b: {  	s9 =	sadd.s32 $0xFFFFFEF7, lr;
	s5 =	simm.s32 $0xFFFFFFFF;
	p2 =	slt.u32 s8, $0xFFFFF086  }
0x1c: {  	p1 =	slt.u32 s9, $0xF7A;
	s5 =	simm.s32 @!p2 $0x0  }
0x1d: {  	s5 =	simm.s32 @p1 $0x1;
	p0 =	seq.s32 s7, s2  }
0x1e: {  	s7 =	smul.u32 @!p0 $0xF7A, s2;
	p2 =	seq.s32 @!p0 s5, $0x0  }
0x1f: {  	s9 =	smul.u32 $0xF7A, s1;
	s8 =	simm.s32 @!p0 $0x1BF5;
	p2 =	por !p2, p0  }
0x20: {  	[sflag:s8] =	ssyncset.s32 @!p0 $0xFFFFF086;
	s6 =	sadd.s32 @!p0 s3, s7;
	s7 =	simm.s32 @!p0 $0x108  }
0x21: {  	s3 =	sadd.s32 s3, s9;
	s6 =	sadd.s32 @!p0 $0x88, s6;
	s7 =	simm.s32 @p2 $0x1082  }
0x22: {  	[simem:s7], [sflag:s8] =	dma.local @!p0 [hbm:s6], $0xF7A  }
0x23: {  	s9 =	sor.u32 $0xD0000000, s2;
	s6 =	simm.s32 $0x108;
	_ =	swait.ge @!p0 [sflag:s8], $0x0  }
0x24: {  	s3 =	sadd.s32 $0x88, s3;
	s6 =	simm.s32 @!p1 $0x1082;
	[sflag:s4] =	ssyncset.s32 $0xFFFFF086  }
0x25: {  	[simem:s6], [sflag:s4] =	dma.local [hbm:s3], $0xF7A  }
0x26: {  	[smem:$0x3F9C] =	sst s1;
	(tag) =	ssettag s2;
	_ =	strace s9  }
0x27: {  	s1 =	sld [smem:$0x3FAC]  }
0x28: {  	s2 =	sld [smem:$0x3FAD]  }
0x29: {  	s4 =	sld [smem:$0x3FAF]  }
0x2a: {  	p0 =	seq.s32 s5, $0x0;
	s5 =	sld [smem:$0x3FB0]  }
0x2b: {  	s6 =	sld [smem:$0x3FB1]  }
0x2c: {  	s7 =	sld [smem:$0x3FB2]  }
0x2d: {  	s3 =	simm.s32 $0x108;
	s8 =	sld [smem:$0x3FB3]  }
0x2e: {  	s3 =	simm.s32 @!p0 $0x1082;
	s9 =	sld [smem:$0x3FB4]  }
0x2f: {  	lr =	sadd.s32 s0, s3;
	s0 =	sld [smem:$0x3FAB]  }
0x30: {  	s3 =	sld [smem:$0x3FAE]  }
0x31: {  	[smem:$0x3FB7] =	sst s10  }
0x32: {  	s10 =	sld [smem:$0x3FB5];
	_ =	sdelay $0x3  }
0x33: {  	p0 =	seq.s32 s10, $0x1;
	s10 =	sld [smem:$0x3FB7];
	_ =	sdelay $0x3  }
0x34: {  	[smem:$0x3FB7] =	sst s10  }
0x35: {  	s10 =	sld [smem:$0x3FB6];
	_ =	sdelay $0x3  }
0x36: {  	p1 =	seq.s32 s10, $0x1;
	s10 =	sld [smem:$0x3FB7];
	_ =	sdelay $0x3  }
0x37: {  	[smem:$0x3FB7] =	sst s10  }
0x38: {  	s10 =	sld [smem:$0x3FB8]  }
0x39: {  	_ = 	snop;
	(pc) =	sbr.ind lr, $3  }
0x3a: {  	_ = 	snop  }
0x3b: {  	_ = 	snop  }
0x3c: {  	p2 =	seq.s32 s10, $0x1;
	s10 =	sld [smem:$0x3FB7]  }
0x3d: {  	_ =	shalt  }
0x3e: {  	_ =	shalt  }
0x3f: {  	_ =	shalt  }
0x40: {  	_ =	shalt  }
0x41: {  	_ =	shalt  }
0x42: {  	_ =	shalt  }
0x43: {  	_ =	shalt  }
0x44: {  	_ =	shalt  }
0x45: {  	_ =	shalt  }
0x46: {  	_ =	shalt  }
0x47: {  	_ =	shalt  }
0x48: {  	_ =	shalt  }
0x49: {  	_ =	shalt  }
0x4a: {  	_ =	shalt  }
0x4b: {  	_ =	shalt  }
0x4c: {  	_ =	shalt  }
0x4d: {  	_ =	shalt  }
0x4e: {  	_ =	shalt  }
0x4f: {  	_ =	shalt  }
0x50: {  	_ =	shalt  }
0x51: {  	_ =	shalt  }
0x52: {  	_ =	shalt  }
0x53: {  	_ =	shalt  }
0x54: {  	_ =	shalt  }
0x55: {  	_ =	shalt  }
0x56: {  	_ =	shalt  }
0x57: {  	_ =	shalt  }
0x58: {  	_ =	shalt  }
0x59: {  	_ =	shalt  }
0x5a: {  	_ =	shalt  }
0x5b: {  	_ =	shalt  }
0x5c: {  	_ =	shalt  }
0x5d: {  	_ =	shalt  }
0x5e: {  	_ =	shalt  }
0x5f: {  	_ =	shalt  }
0x60: {  	_ =	shalt  }
0x61: {  	_ =	shalt  }
0x62: {  	_ =	shalt  }
0x63: {  	_ =	shalt  }
0x64: {  	_ =	shalt  }
0x65: {  	_ =	shalt  }
0x66: {  	_ =	shalt  }
0x67: {  	_ =	shalt  }
0x68: {  	_ =	shalt  }
0x69: {  	_ =	shalt  }
0x6a: {  	_ =	shalt  }
0x6b: {  	_ =	shalt  }
0x6c: {  	_ =	shalt  }
0x6d: {  	_ =	shalt  }
0x6e: {  	_ =	shalt  }
0x6f: {  	_ =	shalt  }
0x70: {  	_ =	shalt  }
0x71: {  	_ =	shalt  }
0x72: {  	_ =	shalt  }
0x73: {  	_ =	shalt  }
0x74: {  	_ =	shalt  }
0x75: {  	_ =	shalt  }
0x76: {  	_ =	shalt  }
0x77: {  	_ =	shalt  }
0x78: {  	_ =	shalt  }
0x79: {  	_ =	shalt  }
0x7a: {  	_ =	shalt  }
0x7b: {  	_ =	shalt  }
0x7c: {  	_ =	shalt  }
0x7d: {  	_ =	shalt  }
0x7e: {  	_ =	shalt  }
0x7f: {  	_ =	shalt  }
0x80: {  	_ =	shalt  }
0x81: {  	_ =	shalt  }
0x82: {  	_ =	shalt  }
0x83: {  	_ =	shalt  }
0x84: {  	_ =	shalt  }
0x85: {  	_ =	shalt  }
0x86: {  	_ =	shalt  }
0x87: {  	_ =	shalt  }
.Lfunc_end0:
.L_simem_size_0:
called_computation_lowered:
.L_overlay_start_0:
0x88: {  	s2 =	sld [smem:$0x3FD9]  }
0x89: {  	s3 =	sld [smem:$0x3FFE];
	_ =	sdelay $0x1  }
0x8a: {  	s1 =	srdreg.scid  }
0x8b: {  	s0 =	sand.u32 $0x1, s1  }
0x8c: {  	s17 =	sshll.u32 s0, $0xA;
	s2 =	sadd.s32 s3, s2  }
0x8d: {  	s2 =	sadd.s32 s2, s17  }
0x8e: {  	[smem:$0x3FC3] =	sst s2  }
0x8f: {  	_ = 	snop  }
0x90: {  	s2 =	sld [smem:$0x3FD0];
	(tm) =	ssettm $0x1  }
0x91: {  	s18 =	sld [smem:$0x3FFB];
	_ =	sdelay $0x3  }
0x92: {  	_ =	strace s18  }
0x93: {  	s3 =	sld [smem:$0x3FFC];
	_ =	sdelay $0x3  }
0x94: {  	_ =	strace s3  }
0x95: {  	s3 =	sld [smem:$0x3FFD];
	_ =	sdelay $0x3  }
0x96: {  	_ =	strace s3  }
0x97: {  	_ =	strace $0x8FFFFFFF  }
0x98: {  	s19 =	sld [smem:$0x3FDB];
	_ =	sdelay $0x1  }
0x99: {  	s4 =	simm.s32 $_scs_section_size  }
0x9a: {  	s5 =	simm.s32 $_size__tile_overlayer_lowered;
	s6 =	simm.s32 $_tile_overlayer_lowered  }
0x9b: {  	s22 =	simm.s32 $0x1BFF;
	s21 =	sshll.u32 s6, $0x1;
	s3 =	sadd.s32 s4, s19  }
0x9c: {  	s7 =	simm.s32 $0x0;
	s20 =	sshll.u32 s5, $0x1;
	s5 =	sadd.s32 s21, s3  }
0x9d: {  	[timem:s7], [sflag:s22] =	dma.local [hbm:s5], s20  }
0x9e: {  	_ =	swait.ge [sflag:s22], s20  }
0x9f: {  	s4 =	ssub.s32 $0x0, s20;
	[sflag:s22] =	ssyncset.done $0x0  }
0xa0: {  	[sflag:s22] =	ssyncadd.s32 s4;
	_ =	sdelay $0x1  }
0xa1: {  	s23 =	simm.s32 $0x1B8B  }
0xa2: {  	_ =	swait.ge [sflag:s23], $0x1  }
0xa3: {  	[sflag:s23] =	ssyncset.done $0x0  }
0xa4: {  	s25 =	simm.s32 $0x1B8E;
	s24 =	sld [smem:$0x3FFE];
	[sflag:s23] =	ssyncadd.s32 $0xFFFFFFFF  }
0xa5: {  	s26 =	simm.s32 $execute0_lowered;
	[smem:$0x3FD2] =	sst s25  }
0xa6: {  	s5 =	sshll.u32 s26, $0x1;
	_ =	strace $0x80000046;
	[dreg:$0x1] =	wrdreg $0xFFFFFFFF  }
0xa7: {  	s28 =	simm.s32 $_size_execute0_lowered;
	s3 =	sadd.s32 s3, s5;
	[dreg:$0x0] =	wrdreg $0x0  }
0xa8: {  	s5 =	sshll.u32 s28, $0x1;
	[dreg:$0x2] =	wrdreg s3  }
0xa9: {  	[dreg:$0x3] =	wrdreg s5  }
0xaa: {  	[dreg:$0x4] =	wrdreg $0xC0  }
0xab: {  	_ =	task [dreg:s7], $0x5FFFF  }
0xac: {  	[dreg:$0x1] =	wrdreg $0xFFFFFFFF  }
0xad: {  	[dreg:$0x0] =	wrdreg $0x60  }
0xae: {  	[dreg:$0x2] =	wrdreg s2  }
0xaf: {  	[dreg:$0x3] =	wrdreg s24  }
0xb0: {  	[dreg:$0x4] =	wrdreg $0x9  }
0xb1: {  	_ =	task.clear_ibuf [dreg:s7], $0x5FFFF;
	_ =	strace $0x90000046  }
0xb2: {  	s29 =	simm.s32 $0x9;
	_ =	strace $0x80000048  }
0xb3: {  	_ =	swait.ge [sflag:s29], $0x1  }
0xb4: {  	[sflag:s29] =	ssyncadd.s32 $0xFFFFFFFF  }
0xb5: {  	_ =	strace $0x90000048  }
0xb6: {  	_ =	sfence  }
0xb7: {  	s30 =	sld [smem:$0x0];
	_ =	sdelay $0x2  }
0xb8: {  	s31 =	sshll.u32 s1, $0xD;
	s1 =	sshrl.u32 s1, $0x2  }
0xb9: {  	s3 =	sand.u32 $0x4000, s31;
	s1 =	sadd.s32 s1, s30  }
0xba: {  	s0 =	sor.u32 s3, s0;
	s1 =	sshll.u32 s1, $0x11  }
0xbb: {  	s0 =	sor.u32 s1, s0  }
0xbc: {  	s0 =	sadd.s32 $0x8F2B, s0  }
0xbd: {  	[sflag:s0] =	ssyncadd.remote.s32 $0x1  }
0xbe: {  	_ =	sfence.sel $0xFFFF  }
0xbf: {  	[dreg:$0x0] =	wrdreg $0xFFFFFFFF;
	(pc) =	sbr.abs _section_cstart, $3  }
0xc0: {  	[dreg:$0x1] =	wrdreg $0xFFFFFFFF  }
0xc1: {  	_ =	task.clear_ibuf [dreg:s7], $0x2FFFF;
	_ =	strace $0x9FFFFFFF  }
0xc2: {  	(tm) =	ssettm $0x7FFFFFFF  }
0xc3: {  	_ =	shalt  }
tec
execute0_lowered:
.L_overlay_start_1:
0x0: {  	(tag) =	ssettag $0x1  }
0x1: {  	s1 =	srdreg.scid  }
0x2: {  	s0 =	stileid.u32;
	s6 =	sand.u32 $0x1, s1  }
0x3: {  	s2 =	rddreg [dreg:$0x0];
	s30 =	sshll.u32 s0, $0x8;
	s3 =	sshll.u32 s6, $0x7  }
0x4: {  	s8 =	rddreg [dreg:$0x1];
	s7 =	simm.s32 $0x1;
	s9 =	sor.u32 s3, s30  }
0x5: {  	s1 =	rddreg [dreg:$0x2];
	s3 =	simm.s32 $0x0;
	s4 =	sshrl.u32 s9, $0x3  }
0x6: {  	s10 =	ssub.s32 $0x2, s6;
	[smem:$0x7FF] =	sst s3;
	s4 =	sadd.s32 s4, s8  }
0x7: {  	_ =	strace $0x80000047;
	s5 =	sadd.s32 $0x1200, s4;
	s4 =	simm.s32 $0x2  }
0x8: {  	[tilespmem:s3], [sflag:$0x2] =	stream.linear.gather [hbm4b:s5+s3], $0x80, $0x38;
	[tilespmem:$0x4080] =	vst v63  }
0x9: {  	s6 =	simm.s32 $0x80;
	s11 =	sshrl.u32 s10, $0x1;
	_ =	swait.ge [sflag:s4], $0x80  }
0xa: {  	s9 =	sshll.u32 s9, $0x4;
	s31 =	ssub.s32 s10, s11;
	[sflag:s4] =	ssyncset.done $0x0  }
0xb: {  	s8 =	sadd.s32 s9, s8;
	s9 =	smax.u32 s31, $0x1;
	[sflag:s4] =	ssyncadd.s32 $0xFFFFFF80  }
0xc: {  	[tilespmem:s6], [sflag:$0x1] =	stream.indirect.gather [hbm4b:s2+s6], $0x80, s3, s6, $0xb8;
	[tilespmem:$0x4080] =	vst v63  }
0xd: {  	p0 =	sne.s32 s9, $0x1;
	_ =	swait.ge [sflag:s7], $0x4000  }
.Ltmp0:
0xe: {  	[sflag:s7] =	ssyncset.done $0x0;
	(pc) =	sbr.rel @!p0 .LBB2_2-.Ltmp0, $4  }
0xf: {  	s8 =	sadd.s32 $0x1400, s8;
	[sflag:s7] =	ssyncadd.s32 $0xFFFFC000  }
0x10: {  	[hbm4b:s8+s3] =	stream.linear.scatter [tilespmem:s6], [sflag:$0x2], $0x4000, $0x38;
	[tilespmem:$0x4080] =	vst v63  }
0x11: {  	_ =	swait.ge [sflag:s4], $0x4000  }
0x12: {  	s9 =	sadd.s32 $0xFFFFFFFF, s9;
	[sflag:s4] =	ssyncset.done $0x0  }
.LBB2_1:
0x13: {  	p0 =	sne.s32 s9, $0x1;
	s9 =	sadd.s32 $0xFFFFFFFF, s9;
	[sflag:s4] =	ssyncadd.s32 $0xFFFFC000  }
0x14: {  	[tilespmem:s3], [sflag:$0x2] =	stream.linear.gather [hbm4b:s5+s3], $0x80, $0x38;
	[tilespmem:$0x4080] =	vst v63  }
0x15: {  	_ =	swait.ge [sflag:s4], $0x80  }
0x16: {  	[sflag:s4] =	ssyncset.done $0x0  }
0x17: {  	[sflag:s4] =	ssyncadd.s32 $0xFFFFFF80  }
0x18: {  	[tilespmem:s6], [sflag:$0x1] =	stream.indirect.gather [hbm4b:s2+s6], $0x80, s3, s6, $0xb8;
	[tilespmem:$0x4080] =	vst v63  }
0x19: {  	_ =	swait.ge [sflag:s7], $0x4000  }
.Ltmp1:
0x1a: {  	[sflag:s7] =	ssyncset.done $0x0;
	(pc) =	sbr.rel @p0 .LBB2_1-.Ltmp1, $4  }
0x1b: {  	[sflag:s7] =	ssyncadd.s32 $0xFFFFC000  }
0x1c: {  	[hbm4b:s8+s3] =	stream.linear.scatter [tilespmem:s6], [sflag:$0x2], $0x4000, $0x38;
	[tilespmem:$0x4080] =	vst v63  }
0x1d: {  	_ =	swait.ge [sflag:s4], $0x4000  }
0x1e: {  	[sflag:s4] =	ssyncset.done $0x0  }
.LBB2_2:
0x1f: {  	[sflag:s4] =	ssyncadd.s32 $0xFFFFC000  }
0x20: {  	_ =	sfence.sel $0x180000  }
0x21: {  	[bflag:$0x0] =	sbarrier.arrive $0xFFFF  }
0x22: {  	p0 =	sne.s32 s0, $0x0;
	_ =	strace $0x90000047  }
0x23: {  	s0 =	sadd.s32 @!p0 $0x100000, s1;
	[bflag:$0x2] =	sbarrier.arrive $0xFFFF  }
0x24: {  	[sflag:s0] =	ssyncadd.tile.s32 @!p0 $0x1;
	_ =	shalt  }
.Lfunc_end2:
_tile_overlayer_lowered:
.L_overlay_start_2:
0x25: {  	(tag) =	ssettag $0x2  }
0x26: {  	s0 =	rddreg [dreg:$0x0];
	s2 =	stileid.u32  }
0x27: {  	s1 =	rddreg [dreg:$0x1];
	p0 =	sne.s32 s2, $0x0  }
0x28: {  	s3 =	rddreg [dreg:$0x2];
	[bflag:$0x3] =	sbarrier.arrive $0xFFFF;
	s2 =	simm.s32 @!p0 $0x1C02  }
0x29: {  	[timem:s3], [sflag:s2] =	dma.local @!p0 [hbm:s0], s1  }
0x2a: {  	s0 =	simm.s32 @!p0 $0x2  }
0x2b: {  	_ =	swait.ge @!p0 [sflag:s0], s1  }
0x2c: {  	s1 =	ssub.s32 @!p0 $0x0, s1;
	[sflag:s0] =	ssyncset.done @!p0 $0x0  }
0x2d: {  	[sflag:s0] =	ssyncadd.s32 @!p0 s1  }
0x2e: {  	[bflag:$0x3] =	sbarrier.arrive $0xFFFF  }
0x2f: {  	_ =	shalt  }

</sc_bundles>
